<compile_context>
chip_gen: v7x
topology: tpu7x:2x2x1
jax: 0.10.2.dev20260603
libtpu: 0.0.44.dev20260713+nightly
codegen_flags: <defaults>
</compile_context>

<pallas_src>
import functools

import jax
import jax.numpy as jnp
from jax import lax
from jax.experimental import pallas as pl
from jax.experimental.pallas import tpu as pltpu
from jax.experimental.pallas import tpu_sc as plsc

NC = 2
NS = 16
NW = NC * NS
L = 16
CH = 2048


def _make_sc_kernel(n, epad, hpad, zpad):
    e_chunks = epad // (NW * CH)
    h_chunks = hpad // (NW * CH)

    mesh = plsc.VectorSubcoreMesh(
        core_axis_name="c", subcore_axis_name="s", num_cores=NC,
        num_subcores=NS)

    @functools.partial(
        pl.kernel,
        out_type=jax.ShapeDtypeStruct((NC, zpad), jnp.float32),
        mesh=mesh,
        scratch_types=[
            pltpu.VMEM((CH,), jnp.int32),
            pltpu.VMEM((CH,), jnp.int32),
            pltpu.VMEM((CH,), jnp.int32),
            pltpu.VMEM((CH,), jnp.float32),
            pltpu.VMEM((CH,), jnp.float32),
            pltpu.VMEM((CH,), jnp.float32),
            pltpu.VMEM((zpad,), jnp.float32),
            pltpu.MemorySpace.VMEM_SHARED((zpad,), jnp.float32),
        ],
        compiler_params=pltpu.CompilerParams(needs_layout_passes=False),
    )
    def sc_kernel(x_hbm, src_hbm, dst_hbm, h1_hbm, h2_hbm, h3_hbm, z_hbm,
                  out_hbm, ia, ib, ic, ga, gb, gc, x_v, acc):
        c = lax.axis_index("c")
        s = lax.axis_index("s")
        wid = c * NS + s

        @pl.when(s == 0)
        def _zero():
            pltpu.sync_copy(z_hbm, acc)

        pltpu.sync_copy(x_hbm, x_v)

        plsc.subcore_barrier()

        def edge_chunk(k, carry):
            s0 = (k * NW + wid) * CH
            pltpu.sync_copy(src_hbm.at[pl.ds(s0, CH)], ia)
            pltpu.sync_copy(dst_hbm.at[pl.ds(s0, CH)], ib)

            def vec(j, carry2):
                sl = pl.ds(j * L, L)
                xs = plsc.load_gather(x_v, [ia[sl]])
                xd = plsc.load_gather(x_v, [ib[sl]])
                ga[sl] = -0.1 * (xd - xs)
                return carry2
            lax.fori_loop(0, CH // L, vec, carry)
            pltpu.sync_copy(ga, acc.at[ib], add=True)
            return carry
        lax.fori_loop(0, e_chunks, edge_chunk, 0)

        def hyper_chunk(k, carry):
            s0 = (k * NW + wid) * CH
            pltpu.sync_copy(h1_hbm.at[pl.ds(s0, CH)], ia)
            pltpu.sync_copy(h2_hbm.at[pl.ds(s0, CH)], ib)
            pltpu.sync_copy(h3_hbm.at[pl.ds(s0, CH)], ic)

            def vec(j, carry2):
                sl = pl.ds(j * L, L)
                a = plsc.load_gather(x_v, [ia[sl]])
                b = plsc.load_gather(x_v, [ib[sl]])
                cc = plsc.load_gather(x_v, [ic[sl]])
                p = b * cc
                ga[sl] = 0.9 * (p - a * a)
                gb[sl] = 0.9 * (p - b * b)
                gc[sl] = 0.9 * (p - cc * cc)
                return carry2
            lax.fori_loop(0, CH // L, vec, carry)
            pltpu.sync_copy(ga, acc.at[ia], add=True)
            pltpu.sync_copy(gb, acc.at[ib], add=True)
            pltpu.sync_copy(gc, acc.at[ic], add=True)
            return carry
        lax.fori_loop(0, h_chunks, hyper_chunk, 0)

        plsc.subcore_barrier()

        @pl.when(s == 0)
        def _out():
            pltpu.sync_copy(acc, out_hbm.at[c])

    return sc_kernel


def _sum2_body(parts_ref, o_ref):
    o_ref[...] = parts_ref[0, :] + parts_ref[1, :]


def kernel(t, x, edge_index, hyperedges):
    del t
    n = x.shape[0]
    e = edge_index.shape[1]
    h = hyperedges.shape[0]
    blk = NW * CH
    zpad = -(-n // (NS * 128)) * (NS * 128)
    epad = -(-e // blk) * blk
    hpad = -(-h // blk) * blk

    ei = edge_index.astype(jnp.int32)
    he = hyperedges.astype(jnp.int32)

    src = jnp.pad(ei[0], (0, epad - e))
    dst = jnp.pad(ei[1], (0, epad - e), constant_values=n)
    h1 = jnp.pad(he[:, 0], (0, hpad - h))
    h2 = jnp.pad(he[:, 1], (0, hpad - h))
    h3 = jnp.pad(he[:, 2], (0, hpad - h))

    z = jnp.zeros((zpad,), jnp.float32)
    xp = jnp.pad(x, (0, zpad - n))

    parts = _make_sc_kernel(n, epad, hpad, zpad)(xp, src, dst, h1, h2, h3, z)

    summed = pl.pallas_call(
        _sum2_body,
        out_shape=jax.ShapeDtypeStruct((zpad,), jnp.float32),
    )(parts)
    return summed[:n]

# --- scband reference (transcript-rebuilt; emitter-appended) ---
"""Pipeline reference for scband-dynamics-model-85469849190529 (READ-ONLY COPY).

The authoritative reference and input builder live on the scoring server;
editing this copy changes nothing except your own understanding.
"""

import jax, jax.numpy as jnp
import numpy as np

NUM_NODES = 100000
NUM_EDGES = 1600000
NUM_HYPEREDGES = 500000


def setup_inputs(seed: int = 0) -> dict:
    key = jax.random.key(seed)
    k_t, k_x, k_e, k_h = jax.random.split(key, 4)
    t = jax.random.normal(k_t, (1,), dtype=jnp.float32)
    x = jax.random.uniform(k_x, (NUM_NODES,), dtype=jnp.float32)
    edge_index = jax.random.randint(k_e, (2, NUM_EDGES), 0, NUM_NODES, dtype=jnp.int64)
    hyperedges = jax.random.randint(k_h, (NUM_HYPEREDGES, 3), 0, NUM_NODES, dtype=jnp.int64)
    return {"t": t, "x": x, "edge_index": edge_index, "hyperedges": hyperedges}


def reference(t, x, edge_index, hyperedges):
    # DynamicsModel.forward(t, x):
    #   returns -0.1 * L @ x + 0.9 * update_result_3(x)
    # L = D - A where A is the (unweighted) adjacency given by edge_index
    # and D = diag(row sums of A).
    n = x.shape[0]
    src = edge_index[0]
    dst = edge_index[1]
    # A @ x via gather + scatter-add
    ax = jnp.zeros((n,), dtype=x.dtype).at[dst].add(x[src])
    # degree (row sums of A)
    deg = jnp.zeros((n,), dtype=x.dtype).at[dst].add(jnp.ones_like(src, dtype=x.dtype))
    lap_x = deg * x - ax
    # update_result_3: for each size-3 hyperedge (n1, n2, n3):
    #   product = x[n2] * x[n3]
    #   result[ni] += product - x[ni]**2  for i in {1,2,3}
    n1 = hyperedges[:, 0]
    n2 = hyperedges[:, 1]
    n3 = hyperedges[:, 2]
    prod = x[n2] * x[n3]
    result = jnp.zeros((n,), dtype=x.dtype)
    result = result.at[n1].add(prod - x[n1] ** 2)
    result = result.at[n2].add(prod - x[n2] ** 2)
    result = result.at[n3].add(prod - x[n3] ** 2)
    return -0.1 * lap_x + 0.9 * result

if __name__ == "__main__":
    import jax
    _d = setup_inputs()
    print(jax.jit(kernel)(*tuple(_d.values())))

</pallas_src>

<mosaic_0001>
#map = affine_map<(d0, d1) -> (0)>
#map1 = affine_map<(d0, d1) -> (0, 0)>
module attributes {stable_mosaic.version = 14 : i64} {
  func.func @sc_kernel(%arg0: i32, %arg1: i32, %arg2: memref<100352xf32, #tpu.memory_space<hbm>>, %arg3: memref<1638400xi32, #tpu.memory_space<hbm>>, %arg4: memref<1638400xi32, #tpu.memory_space<hbm>>, %arg5: memref<524288xi32, #tpu.memory_space<hbm>>, %arg6: memref<524288xi32, #tpu.memory_space<hbm>>, %arg7: memref<524288xi32, #tpu.memory_space<hbm>>, %arg8: memref<100352xf32, #tpu.memory_space<hbm>>, %arg9: memref<2x100352xf32, #tpu.memory_space<hbm>>, %arg10: memref<2048xi32, #tpu.memory_space<vmem>>, %arg11: memref<2048xi32, #tpu.memory_space<vmem>>, %arg12: memref<2048xi32, #tpu.memory_space<vmem>>, %arg13: memref<2048xf32, #tpu.memory_space<vmem>>, %arg14: memref<2048xf32, #tpu.memory_space<vmem>>, %arg15: memref<2048xf32, #tpu.memory_space<vmem>>, %arg16: memref<100352xf32, #tpu.memory_space<vmem>>, %arg17: memref<100352xf32, #tpu.memory_space<vmem_shared>>) attributes {dimension_semantics = [#tpu.dimension_semantics<core_parallel>, #tpu.dimension_semantics<subcore_parallel>], iteration_bounds = array<i64: 2, 16>, scalar_prefetch = 0 : i64, scratch_operands = 8 : i64, tpu.core_type = #tpu.core_type<sc_vector_subcore>, window_params = [{transform_indices = #map}, {transform_indices = #map}, {transform_indices = #map}, {transform_indices = #map}, {transform_indices = #map}, {transform_indices = #map}, {transform_indices = #map}, {transform_indices = #map1}]} {
    %mul3A = arith.constant 16 : i32
    %mul3A_0 = arith.muli %arg0, %mul3A : i32
    %add3A = arith.addi %mul3A_0, %arg1 : i32
    %eq3A = arith.constant 0 : i32
    %eq3A_1 = arith.cmpi eq, %arg1, %eq3A : i32
    %convert_element_type3A = arith.extui %eq3A_1 : i1 to i32
    %cond3A = arith.constant 0 : i32
    %cond3A_2 = arith.cmpi ne, %convert_element_type3A, %cond3A : i32
    scf.if %cond3A_2 {
      "tpu.region"() ({
        %run_scoped3A = tpu.sem_alloc : memref<!tpu.dma_semaphore, #tpu.memory_space<semaphore_mem>>
        tpu.enqueue_dma source(%arg8 : memref<100352xf32, #tpu.memory_space<hbm>>) target(%arg17 : memref<100352xf32, #tpu.memory_space<vmem_shared>>) target_semaphore(%run_scoped3A : memref<!tpu.dma_semaphore, #tpu.memory_space<semaphore_mem>>)
        tpu.wait_dma2 semaphore(%run_scoped3A : memref<!tpu.dma_semaphore, #tpu.memory_space<semaphore_mem>>) src(%arg8 : memref<100352xf32, #tpu.memory_space<hbm>>) dst(%arg17 : memref<100352xf32, #tpu.memory_space<vmem_shared>>)
        tpu.yield
      }) : () -> ()
    } else {
    }
    "tpu.region"() ({
      %run_scoped3A = tpu.sem_alloc : memref<!tpu.dma_semaphore, #tpu.memory_space<semaphore_mem>>
      tpu.enqueue_dma source(%arg2 : memref<100352xf32, #tpu.memory_space<hbm>>) target(%arg16 : memref<100352xf32, #tpu.memory_space<vmem>>) target_semaphore(%run_scoped3A : memref<!tpu.dma_semaphore, #tpu.memory_space<semaphore_mem>>)
      tpu.wait_dma2 semaphore(%run_scoped3A : memref<!tpu.dma_semaphore, #tpu.memory_space<semaphore_mem>>) src(%arg2 : memref<100352xf32, #tpu.memory_space<hbm>>) dst(%arg16 : memref<100352xf32, #tpu.memory_space<vmem>>)
      tpu.yield
    }) : () -> ()
    %barrier3A = arith.constant 0 : index
    tpu.barrier barrier_id(%barrier3A)
    %scan3A = arith.constant 0 : i32
    %scan3A_3 = arith.constant 0 : i32
    %scan3A_4 = arith.constant 25 : i32
    %scan3A_5 = arith.addi %scan3A_3, %scan3A_4 : i32
    %scan3A_6 = arith.constant 1 : i32
    scf.for %scan3A_20 = %scan3A_3 to %scan3A_5 step %scan3A_6  : i32 {
      %mul3A_21 = arith.constant 32 : i32
      %mul3A_22 = arith.muli %scan3A_20, %mul3A_21 : i32
      %add3A_23 = arith.addi %mul3A_22, %add3A : i32
      %mul3A_24 = arith.constant 2048 : i32
      %mul3A_25 = arith.muli %add3A_23, %mul3A_24 : i32
      "tpu.region"() ({
        %run_scoped3A = tpu.sem_alloc : memref<!tpu.dma_semaphore, #tpu.memory_space<semaphore_mem>>
        %dma_start3A = tpu.memref_slice %arg3[%mul3A_25] : memref<1638400xi32, #tpu.memory_space<hbm>> -> memref<2048xi32, #tpu.memory_space<hbm>>
        %dma_start3A_31 = tpu.memref_slice %arg3[%mul3A_25] : memref<1638400xi32, #tpu.memory_space<hbm>> -> memref<2048xi32, #tpu.memory_space<hbm>>
        tpu.enqueue_dma source(%dma_start3A_31 : memref<2048xi32, #tpu.memory_space<hbm>>) target(%arg10 : memref<2048xi32, #tpu.memory_space<vmem>>) target_semaphore(%run_scoped3A : memref<!tpu.dma_semaphore, #tpu.memory_space<semaphore_mem>>)
        %dma_wait3A = tpu.memref_slice %arg3[%mul3A_25] : memref<1638400xi32, #tpu.memory_space<hbm>> -> memref<2048xi32, #tpu.memory_space<hbm>>
        %dma_wait3A_32 = tpu.memref_slice %arg3[%mul3A_25] : memref<1638400xi32, #tpu.memory_space<hbm>> -> memref<2048xi32, #tpu.memory_space<hbm>>
        tpu.wait_dma2 semaphore(%run_scoped3A : memref<!tpu.dma_semaphore, #tpu.memory_space<semaphore_mem>>) src(%dma_wait3A_32 : memref<2048xi32, #tpu.memory_space<hbm>>) dst(%arg10 : memref<2048xi32, #tpu.memory_space<vmem>>)
        tpu.yield
      }) : () -> ()
      "tpu.region"() ({
        %run_scoped3A = tpu.sem_alloc : memref<!tpu.dma_semaphore, #tpu.memory_space<semaphore_mem>>
        %dma_start3A = tpu.memref_slice %arg4[%mul3A_25] : memref<1638400xi32, #tpu.memory_space<hbm>> -> memref<2048xi32, #tpu.memory_space<hbm>>
        %dma_start3A_31 = tpu.memref_slice %arg4[%mul3A_25] : memref<1638400xi32, #tpu.memory_space<hbm>> -> memref<2048xi32, #tpu.memory_space<hbm>>
        tpu.enqueue_dma source(%dma_start3A_31 : memref<2048xi32, #tpu.memory_space<hbm>>) target(%arg11 : memref<2048xi32, #tpu.memory_space<vmem>>) target_semaphore(%run_scoped3A : memref<!tpu.dma_semaphore, #tpu.memory_space<semaphore_mem>>)
        %dma_wait3A = tpu.memref_slice %arg4[%mul3A_25] : memref<1638400xi32, #tpu.memory_space<hbm>> -> memref<2048xi32, #tpu.memory_space<hbm>>
        %dma_wait3A_32 = tpu.memref_slice %arg4[%mul3A_25] : memref<1638400xi32, #tpu.memory_space<hbm>> -> memref<2048xi32, #tpu.memory_space<hbm>>
        tpu.wait_dma2 semaphore(%run_scoped3A : memref<!tpu.dma_semaphore, #tpu.memory_space<semaphore_mem>>) src(%dma_wait3A_32 : memref<2048xi32, #tpu.memory_space<hbm>>) dst(%arg11 : memref<2048xi32, #tpu.memory_space<vmem>>)
        tpu.yield
      }) : () -> ()
      %scan3A_26 = arith.constant 0 : i32
      %scan3A_27 = arith.constant 128 : i32
      %scan3A_28 = arith.addi %scan3A_26, %scan3A_27 : i32
      %scan3A_29 = arith.constant 1 : i32
      scf.for %scan3A_31 = %scan3A_26 to %scan3A_28 step %scan3A_29  : i32 {
        %mul3A_32 = arith.constant 16 : i32
        %mul3A_33 = arith.muli %scan3A_31, %mul3A_32 : i32
        %get3A = arith.index_cast %mul3A_33 : i32 to index
        %get3A_34 = tpu.vector_load %arg10[%get3A] {strides = array<i32>} : memref<2048xi32, #tpu.memory_space<vmem>>, vector<16xi32>,
        %gather3A = tpu.vector_load_idx %arg16[%get3A_34] : memref<100352xf32, #tpu.memory_space<vmem>>[vector<16xi32>], vector<16xf32>,
        %get3A_35 = arith.index_cast %mul3A_33 : i32 to index
        %get3A_36 = tpu.vector_load %arg11[%get3A_35] {strides = array<i32>} : memref<2048xi32, #tpu.memory_space<vmem>>, vector<16xi32>,
        %gather3A_37 = tpu.vector_load_idx %arg16[%get3A_36] : memref<100352xf32, #tpu.memory_space<vmem>>[vector<16xi32>], vector<16xf32>,
        %sub3A = arith.subf %gather3A_37, %gather3A : vector<16xf32>
        %mul3A_38 = arith.constant -1.000000e-01 : f32
        %mul3A_39 = vector.broadcast %mul3A_38 : f32 to vector<16xf32>
        %mul3A_40 = arith.mulf %mul3A_39, %sub3A : vector<16xf32>
        %swap3A = arith.index_cast %mul3A_33 : i32 to index
        %swap3A_41 = tpu.vector_load %arg13[%swap3A] {strides = array<i32>} : memref<2048xf32, #tpu.memory_space<vmem>>, vector<16xf32>,
        tpu.vector_store %arg13[%swap3A], %mul3A_40 {strides = array<i32>} : memref<2048xf32, #tpu.memory_space<vmem>>, vector<16xf32>,
      }
      %scan3A_30 = arith.constant 128 : i32
      "tpu.region"() ({
        %run_scoped3A = tpu.sem_alloc : memref<!tpu.dma_semaphore, #tpu.memory_space<semaphore_mem>>
        %dma_start3A = arith.constant 0 : i32
        %dma_start3A_31 = tpu.memref_slice %arg17[%dma_start3A] : memref<100352xf32, #tpu.memory_space<vmem_shared>> -> memref<100352xf32, #tpu.memory_space<vmem_shared>>
        tpu.enqueue_indirect_dma source(%arg13 : memref<2048xf32, #tpu.memory_space<vmem>>) target(%dma_start3A_31 : memref<100352xf32, #tpu.memory_space<vmem_shared>>) offsets(%arg11 : memref<2048xi32, #tpu.memory_space<vmem>>) semaphore(%run_scoped3A : memref<!tpu.dma_semaphore, #tpu.memory_space<semaphore_mem>>) {add = true}
        %dma_wait3A = arith.constant 0 : i32
        %dma_wait3A_32 = tpu.memref_slice %arg17[%dma_wait3A] : memref<100352xf32, #tpu.memory_space<vmem_shared>> -> memref<100352xf32, #tpu.memory_space<vmem_shared>>
        tpu.wait_indirect_dma semaphore(%run_scoped3A : memref<!tpu.dma_semaphore, #tpu.memory_space<semaphore_mem>>) src(%arg13 : memref<2048xf32, #tpu.memory_space<vmem>>) dst(%dma_wait3A_32 : memref<100352xf32, #tpu.memory_space<vmem_shared>>)
        tpu.yield
      }) : () -> ()
    }
    %scan3A_7 = arith.constant 25 : i32
    %scan3A_8 = arith.constant 0 : i32
    %scan3A_9 = arith.constant 0 : i32
    %scan3A_10 = arith.constant 8 : i32
    %scan3A_11 = arith.addi %scan3A_9, %scan3A_10 : i32
    %scan3A_12 = arith.constant 1 : i32
    scf.for %scan3A_20 = %scan3A_9 to %scan3A_11 step %scan3A_12  : i32 {
      %mul3A_21 = arith.constant 32 : i32
      %mul3A_22 = arith.muli %scan3A_20, %mul3A_21 : i32
      %add3A_23 = arith.addi %mul3A_22, %add3A : i32
      %mul3A_24 = arith.constant 2048 : i32
      %mul3A_25 = arith.muli %add3A_23, %mul3A_24 : i32
      "tpu.region"() ({
        %run_scoped3A = tpu.sem_alloc : memref<!tpu.dma_semaphore, #tpu.memory_space<semaphore_mem>>
        %dma_start3A = tpu.memref_slice %arg5[%mul3A_25] : memref<524288xi32, #tpu.memory_space<hbm>> -> memref<2048xi32, #tpu.memory_space<hbm>>
        %dma_start3A_31 = tpu.memref_slice %arg5[%mul3A_25] : memref<524288xi32, #tpu.memory_space<hbm>> -> memref<2048xi32, #tpu.memory_space<hbm>>
        tpu.enqueue_dma source(%dma_start3A_31 : memref<2048xi32, #tpu.memory_space<hbm>>) target(%arg10 : memref<2048xi32, #tpu.memory_space<vmem>>) target_semaphore(%run_scoped3A : memref<!tpu.dma_semaphore, #tpu.memory_space<semaphore_mem>>)
        %dma_wait3A = tpu.memref_slice %arg5[%mul3A_25] : memref<524288xi32, #tpu.memory_space<hbm>> -> memref<2048xi32, #tpu.memory_space<hbm>>
        %dma_wait3A_32 = tpu.memref_slice %arg5[%mul3A_25] : memref<524288xi32, #tpu.memory_space<hbm>> -> memref<2048xi32, #tpu.memory_space<hbm>>
        tpu.wait_dma2 semaphore(%run_scoped3A : memref<!tpu.dma_semaphore, #tpu.memory_space<semaphore_mem>>) src(%dma_wait3A_32 : memref<2048xi32, #tpu.memory_space<hbm>>) dst(%arg10 : memref<2048xi32, #tpu.memory_space<vmem>>)
        tpu.yield
      }) : () -> ()
      "tpu.region"() ({
        %run_scoped3A = tpu.sem_alloc : memref<!tpu.dma_semaphore, #tpu.memory_space<semaphore_mem>>
        %dma_start3A = tpu.memref_slice %arg6[%mul3A_25] : memref<524288xi32, #tpu.memory_space<hbm>> -> memref<2048xi32, #tpu.memory_space<hbm>>
        %dma_start3A_31 = tpu.memref_slice %arg6[%mul3A_25] : memref<524288xi32, #tpu.memory_space<hbm>> -> memref<2048xi32, #tpu.memory_space<hbm>>
        tpu.enqueue_dma source(%dma_start3A_31 : memref<2048xi32, #tpu.memory_space<hbm>>) target(%arg11 : memref<2048xi32, #tpu.memory_space<vmem>>) target_semaphore(%run_scoped3A : memref<!tpu.dma_semaphore, #tpu.memory_space<semaphore_mem>>)
        %dma_wait3A = tpu.memref_slice %arg6[%mul3A_25] : memref<524288xi32, #tpu.memory_space<hbm>> -> memref<2048xi32, #tpu.memory_space<hbm>>
        %dma_wait3A_32 = tpu.memref_slice %arg6[%mul3A_25] : memref<524288xi32, #tpu.memory_space<hbm>> -> memref<2048xi32, #tpu.memory_space<hbm>>
        tpu.wait_dma2 semaphore(%run_scoped3A : memref<!tpu.dma_semaphore, #tpu.memory_space<semaphore_mem>>) src(%dma_wait3A_32 : memref<2048xi32, #tpu.memory_space<hbm>>) dst(%arg11 : memref<2048xi32, #tpu.memory_space<vmem>>)
        tpu.yield
      }) : () -> ()
      "tpu.region"() ({
        %run_scoped3A = tpu.sem_alloc : memref<!tpu.dma_semaphore, #tpu.memory_space<semaphore_mem>>
        %dma_start3A = tpu.memref_slice %arg7[%mul3A_25] : memref<524288xi32, #tpu.memory_space<hbm>> -> memref<2048xi32, #tpu.memory_space<hbm>>
        %dma_start3A_31 = tpu.memref_slice %arg7[%mul3A_25] : memref<524288xi32, #tpu.memory_space<hbm>> -> memref<2048xi32, #tpu.memory_space<hbm>>
        tpu.enqueue_dma source(%dma_start3A_31 : memref<2048xi32, #tpu.memory_space<hbm>>) target(%arg12 : memref<2048xi32, #tpu.memory_space<vmem>>) target_semaphore(%run_scoped3A : memref<!tpu.dma_semaphore, #tpu.memory_space<semaphore_mem>>)
        %dma_wait3A = tpu.memref_slice %arg7[%mul3A_25] : memref<524288xi32, #tpu.memory_space<hbm>> -> memref<2048xi32, #tpu.memory_space<hbm>>
        %dma_wait3A_32 = tpu.memref_slice %arg7[%mul3A_25] : memref<524288xi32, #tpu.memory_space<hbm>> -> memref<2048xi32, #tpu.memory_space<hbm>>
        tpu.wait_dma2 semaphore(%run_scoped3A : memref<!tpu.dma_semaphore, #tpu.memory_space<semaphore_mem>>) src(%dma_wait3A_32 : memref<2048xi32, #tpu.memory_space<hbm>>) dst(%arg12 : memref<2048xi32, #tpu.memory_space<vmem>>)
        tpu.yield
      }) : () -> ()
      %scan3A_26 = arith.constant 0 : i32
      %scan3A_27 = arith.constant 128 : i32
      %scan3A_28 = arith.addi %scan3A_26, %scan3A_27 : i32
      %scan3A_29 = arith.constant 1 : i32
      scf.for %scan3A_31 = %scan3A_26 to %scan3A_28 step %scan3A_29  : i32 {
        %mul3A_32 = arith.constant 16 : i32
        %mul3A_33 = arith.muli %scan3A_31, %mul3A_32 : i32
        %get3A = arith.index_cast %mul3A_33 : i32 to index
        %get3A_34 = tpu.vector_load %arg10[%get3A] {strides = array<i32>} : memref<2048xi32, #tpu.memory_space<vmem>>, vector<16xi32>,
        %gather3A = tpu.vector_load_idx %arg16[%get3A_34] : memref<100352xf32, #tpu.memory_space<vmem>>[vector<16xi32>], vector<16xf32>,
        %get3A_35 = arith.index_cast %mul3A_33 : i32 to index
        %get3A_36 = tpu.vector_load %arg11[%get3A_35] {strides = array<i32>} : memref<2048xi32, #tpu.memory_space<vmem>>, vector<16xi32>,
        %gather3A_37 = tpu.vector_load_idx %arg16[%get3A_36] : memref<100352xf32, #tpu.memory_space<vmem>>[vector<16xi32>], vector<16xf32>,
        %get3A_38 = arith.index_cast %mul3A_33 : i32 to index
        %get3A_39 = tpu.vector_load %arg12[%get3A_38] {strides = array<i32>} : memref<2048xi32, #tpu.memory_space<vmem>>, vector<16xi32>,
        %gather3A_40 = tpu.vector_load_idx %arg16[%get3A_39] : memref<100352xf32, #tpu.memory_space<vmem>>[vector<16xi32>], vector<16xf32>,
        %mul3A_41 = arith.mulf %gather3A_37, %gather3A_40 : vector<16xf32>
        %mul3A_42 = arith.mulf %gather3A, %gather3A : vector<16xf32>
        %sub3A = arith.subf %mul3A_41, %mul3A_42 : vector<16xf32>
        %mul3A_43 = arith.constant 0.899999976 : f32
        %mul3A_44 = vector.broadcast %mul3A_43 : f32 to vector<16xf32>
        %mul3A_45 = arith.mulf %mul3A_44, %sub3A : vector<16xf32>
        %swap3A = arith.index_cast %mul3A_33 : i32 to index
        %swap3A_46 = tpu.vector_load %arg13[%swap3A] {strides = array<i32>} : memref<2048xf32, #tpu.memory_space<vmem>>, vector<16xf32>,
        tpu.vector_store %arg13[%swap3A], %mul3A_45 {strides = array<i32>} : memref<2048xf32, #tpu.memory_space<vmem>>, vector<16xf32>,
        %mul3A_47 = arith.mulf %gather3A_37, %gather3A_37 : vector<16xf32>
        %sub3A_48 = arith.subf %mul3A_41, %mul3A_47 : vector<16xf32>
        %mul3A_49 = arith.constant 0.899999976 : f32
        %mul3A_50 = vector.broadcast %mul3A_49 : f32 to vector<16xf32>
        %mul3A_51 = arith.mulf %mul3A_50, %sub3A_48 : vector<16xf32>
        %swap3A_52 = arith.index_cast %mul3A_33 : i32 to index
        %swap3A_53 = tpu.vector_load %arg14[%swap3A_52] {strides = array<i32>} : memref<2048xf32, #tpu.memory_space<vmem>>, vector<16xf32>,
        tpu.vector_store %arg14[%swap3A_52], %mul3A_51 {strides = array<i32>} : memref<2048xf32, #tpu.memory_space<vmem>>, vector<16xf32>,
        %mul3A_54 = arith.mulf %gather3A_40, %gather3A_40 : vector<16xf32>
        %sub3A_55 = arith.subf %mul3A_41, %mul3A_54 : vector<16xf32>
        %mul3A_56 = arith.constant 0.899999976 : f32
        %mul3A_57 = vector.broadcast %mul3A_56 : f32 to vector<16xf32>
        %mul3A_58 = arith.mulf %mul3A_57, %sub3A_55 : vector<16xf32>
        %swap3A_59 = arith.index_cast %mul3A_33 : i32 to index
        %swap3A_60 = tpu.vector_load %arg15[%swap3A_59] {strides = array<i32>} : memref<2048xf32, #tpu.memory_space<vmem>>, vector<16xf32>,
        tpu.vector_store %arg15[%swap3A_59], %mul3A_58 {strides = array<i32>} : memref<2048xf32, #tpu.memory_space<vmem>>, vector<16xf32>,
      }
      %scan3A_30 = arith.constant 128 : i32
      "tpu.region"() ({
        %run_scoped3A = tpu.sem_alloc : memref<!tpu.dma_semaphore, #tpu.memory_space<semaphore_mem>>
        %dma_start3A = arith.constant 0 : i32
        %dma_start3A_31 = tpu.memref_slice %arg17[%dma_start3A] : memref<100352xf32, #tpu.memory_space<vmem_shared>> -> memref<100352xf32, #tpu.memory_space<vmem_shared>>
        tpu.enqueue_indirect_dma source(%arg13 : memref<2048xf32, #tpu.memory_space<vmem>>) target(%dma_start3A_31 : memref<100352xf32, #tpu.memory_space<vmem_shared>>) offsets(%arg10 : memref<2048xi32, #tpu.memory_space<vmem>>) semaphore(%run_scoped3A : memref<!tpu.dma_semaphore, #tpu.memory_space<semaphore_mem>>) {add = true}
        %dma_wait3A = arith.constant 0 : i32
        %dma_wait3A_32 = tpu.memref_slice %arg17[%dma_wait3A] : memref<100352xf32, #tpu.memory_space<vmem_shared>> -> memref<100352xf32, #tpu.memory_space<vmem_shared>>
        tpu.wait_indirect_dma semaphore(%run_scoped3A : memref<!tpu.dma_semaphore, #tpu.memory_space<semaphore_mem>>) src(%arg13 : memref<2048xf32, #tpu.memory_space<vmem>>) dst(%dma_wait3A_32 : memref<100352xf32, #tpu.memory_space<vmem_shared>>)
        tpu.yield
      }) : () -> ()
      "tpu.region"() ({
        %run_scoped3A = tpu.sem_alloc : memref<!tpu.dma_semaphore, #tpu.memory_space<semaphore_mem>>
        %dma_start3A = arith.constant 0 : i32
        %dma_start3A_31 = tpu.memref_slice %arg17[%dma_start3A] : memref<100352xf32, #tpu.memory_space<vmem_shared>> -> memref<100352xf32, #tpu.memory_space<vmem_shared>>
        tpu.enqueue_indirect_dma source(%arg14 : memref<2048xf32, #tpu.memory_space<vmem>>) target(%dma_start3A_31 : memref<100352xf32, #tpu.memory_space<vmem_shared>>) offsets(%arg11 : memref<2048xi32, #tpu.memory_space<vmem>>) semaphore(%run_scoped3A : memref<!tpu.dma_semaphore, #tpu.memory_space<semaphore_mem>>) {add = true}
        %dma_wait3A = arith.constant 0 : i32
        %dma_wait3A_32 = tpu.memref_slice %arg17[%dma_wait3A] : memref<100352xf32, #tpu.memory_space<vmem_shared>> -> memref<100352xf32, #tpu.memory_space<vmem_shared>>
        tpu.wait_indirect_dma semaphore(%run_scoped3A : memref<!tpu.dma_semaphore, #tpu.memory_space<semaphore_mem>>) src(%arg14 : memref<2048xf32, #tpu.memory_space<vmem>>) dst(%dma_wait3A_32 : memref<100352xf32, #tpu.memory_space<vmem_shared>>)
        tpu.yield
      }) : () -> ()
      "tpu.region"() ({
        %run_scoped3A = tpu.sem_alloc : memref<!tpu.dma_semaphore, #tpu.memory_space<semaphore_mem>>
        %dma_start3A = arith.constant 0 : i32
        %dma_start3A_31 = tpu.memref_slice %arg17[%dma_start3A] : memref<100352xf32, #tpu.memory_space<vmem_shared>> -> memref<100352xf32, #tpu.memory_space<vmem_shared>>
        tpu.enqueue_indirect_dma source(%arg15 : memref<2048xf32, #tpu.memory_space<vmem>>) target(%dma_start3A_31 : memref<100352xf32, #tpu.memory_space<vmem_shared>>) offsets(%arg12 : memref<2048xi32, #tpu.memory_space<vmem>>) semaphore(%run_scoped3A : memref<!tpu.dma_semaphore, #tpu.memory_space<semaphore_mem>>) {add = true}
        %dma_wait3A = arith.constant 0 : i32
        %dma_wait3A_32 = tpu.memref_slice %arg17[%dma_wait3A] : memref<100352xf32, #tpu.memory_space<vmem_shared>> -> memref<100352xf32, #tpu.memory_space<vmem_shared>>
        tpu.wait_indirect_dma semaphore(%run_scoped3A : memref<!tpu.dma_semaphore, #tpu.memory_space<semaphore_mem>>) src(%arg15 : memref<2048xf32, #tpu.memory_space<vmem>>) dst(%dma_wait3A_32 : memref<100352xf32, #tpu.memory_space<vmem_shared>>)
        tpu.yield
      }) : () -> ()
    }
    %scan3A_13 = arith.constant 8 : i32
    %barrier3A_14 = arith.constant 0 : index
    tpu.barrier barrier_id(%barrier3A_14)
    %eq3A_15 = arith.constant 0 : i32
    %eq3A_16 = arith.cmpi eq, %arg1, %eq3A_15 : i32
    %convert_element_type3A_17 = arith.extui %eq3A_16 : i1 to i32
    %cond3A_18 = arith.constant 0 : i32
    %cond3A_19 = arith.cmpi ne, %convert_element_type3A_17, %cond3A_18 : i32
    scf.if %cond3A_19 {
      "tpu.region"() ({
        %run_scoped3A = tpu.sem_alloc : memref<!tpu.dma_semaphore, #tpu.memory_space<semaphore_mem>>
        %dma_start3A = arith.constant 0 : i32
        %dma_start3A_20 = tpu.memref_slice %arg9[%arg0, %dma_start3A] : memref<2x100352xf32, #tpu.memory_space<hbm>> -> memref<1x100352xf32, #tpu.memory_space<hbm>>
        %dma_start3A_21 = tpu.memref_squeeze %dma_start3A_20 : memref<1x100352xf32, #tpu.memory_space<hbm>> -> memref<100352xf32, #tpu.memory_space<hbm>>
        tpu.enqueue_dma source(%arg17 : memref<100352xf32, #tpu.memory_space<vmem_shared>>) target(%dma_start3A_21 : memref<100352xf32, #tpu.memory_space<hbm>>) target_semaphore(%run_scoped3A : memref<!tpu.dma_semaphore, #tpu.memory_space<semaphore_mem>>)
        %dma_wait3A = arith.constant 0 : i32
        %dma_wait3A_22 = tpu.memref_slice %arg9[%arg0, %dma_wait3A] : memref<2x100352xf32, #tpu.memory_space<hbm>> -> memref<1x100352xf32, #tpu.memory_space<hbm>>
        %dma_wait3A_23 = tpu.memref_squeeze %dma_wait3A_22 : memref<1x100352xf32, #tpu.memory_space<hbm>> -> memref<100352xf32, #tpu.memory_space<hbm>>
        tpu.wait_dma2 semaphore(%run_scoped3A : memref<!tpu.dma_semaphore, #tpu.memory_space<semaphore_mem>>) src(%arg17 : memref<100352xf32, #tpu.memory_space<vmem_shared>>) dst(%dma_wait3A_23 : memref<100352xf32, #tpu.memory_space<hbm>>)
        tpu.yield
      }) : () -> ()
    } else {
    }
    return
  }
}

module attributes {stable_mosaic.version = 14 : i64} {
  func.func @_sum2_body(%arg0: memref<2x100352xf32, #tpu.memory_space<vmem>>, %arg1: memref<100352xf32, #tpu.memory_space<vmem>>) attributes {dimension_semantics = [], scalar_prefetch = 0 : i64, scratch_operands = 0 : i64, tpu.core_type = #tpu.core_type<tc>} {
    %get3A = arith.constant 0 : index
    %get3A_0 = arith.constant 0 : index
    %get3A_1 = vector.load %arg0[%get3A, %get3A_0] : memref<2x100352xf32, #tpu.memory_space<vmem>>, vector<1x100352xf32>
    %get3A_2 = vector.shape_cast %get3A_1 : vector<1x100352xf32> to vector<100352xf32>
    %get3A_3 = arith.constant 1 : index
    %get3A_4 = arith.constant 0 : index
    %get3A_5 = vector.load %arg0[%get3A_3, %get3A_4] : memref<2x100352xf32, #tpu.memory_space<vmem>>, vector<1x100352xf32>
    %get3A_6 = vector.shape_cast %get3A_5 : vector<1x100352xf32> to vector<100352xf32>
    %add3A = arith.addf %get3A_2, %get3A_6 : vector<100352xf32>
    %swap3A = arith.constant 0 : index
    %swap3A_7 = vector.load %arg1[%swap3A] : memref<100352xf32, #tpu.memory_space<vmem>>, vector<100352xf32>
    tpu.vector_store %arg1[%swap3A], %add3A {strides = array<i32>} : memref<100352xf32, #tpu.memory_space<vmem>>, vector<100352xf32>,
    return
  }
}

</mosaic_0001>

<sc_bundles>
// kernel: kernel.4.cloned.1.call-start
scs
__scs_entry_jumppad:
0x0: {  	(pc) =	sbr.rel $0x88, $3  }
0x1: {  	(tag) =	ssettag $0x0;
	lr =	simm.s32 $0x1  }
0x2: {  	[smem:$0x3F9E] =	sst lr;
	_ =	strace $0xD0000000  }
0x3: {  	_ = 	snop  }
0x4: {  	_ = 	snop  }
0x5: {  	_ = 	snop  }
0x6: {  	_ = 	snop  }
0x7: {  	_ = 	snop  }
__scs_overlays_trampoline_lowered:
0x8: {  	[smem:$0x3FAD] =	sst s0  }
0x9: {  	[smem:$0x3FAE] =	sst s1  }
0xa: {  	[smem:$0x3FAF] =	sst s2  }
0xb: {  	[smem:$0x3FB0] =	sst s3  }
0xc: {  	[smem:$0x3FB1] =	sst s4  }
0xd: {  	[smem:$0x3FB2] =	sst s5  }
0xe: {  	[smem:$0x3FB3] =	sst s6  }
0xf: {  	[smem:$0x3FB4] =	sst s7  }
0x10: {  	[smem:$0x3FB5] =	sst s8  }
0x11: {  	[smem:$0x3FB6] =	sst s9;
	s0 =	simm.s32 @!p0 $0x0  }
0x12: {  	s1 =	sld [smem:$0x3F9C];
	s0 =	simm.s32 @p0 $0x1  }
0x13: {  	[smem:$0x3FB7] =	sst s0;
	s0 =	simm.s32 @!p1 $0x0  }
0x14: {  	s2 =	sld [smem:$0x3F9B];
	s0 =	simm.s32 @p1 $0x1  }
0x15: {  	[smem:$0x3FB8] =	sst s0;
	s0 =	simm.s32 @!p2 $0x0  }
0x16: {  	s3 =	sld [smem:$0x3FDB];
	s0 =	simm.s32 @p2 $0x1  }
0x17: {  	s4 =	simm.s32 $0x1BF5;
	[smem:$0x3FBA] =	sst s0  }
0x18: {  	s0 =	sld [smem:$0x3F9D];
	_ =	swait.ge [sflag:s4], $0x0  }
0x19: {  	s7 =	sld [smem:$0x3F9E]  }
0x1a: {  	s8 =	sadd.s32 $0xFFFFE003, lr  }
0x1b: {  	s9 =	sadd.s32 $0xFFFFFEF7, lr;
	s5 =	simm.s32 $0xFFFFFFFF;
	p2 =	slt.u32 s8, $0xFFFFF086  }
0x1c: {  	p1 =	slt.u32 s9, $0xF7A;
	s5 =	simm.s32 @!p2 $0x0  }
0x1d: {  	s5 =	simm.s32 @p1 $0x1;
	p0 =	seq.s32 s7, s2  }
0x1e: {  	s7 =	smul.u32 @!p0 $0xF7A, s2;
	p2 =	seq.s32 @!p0 s5, $0x0  }
0x1f: {  	s9 =	smul.u32 $0xF7A, s1;
	s8 =	simm.s32 @!p0 $0x1BF5;
	p2 =	por !p2, p0  }
0x20: {  	[sflag:s8] =	ssyncset.s32 @!p0 $0xFFFFF086;
	s6 =	sadd.s32 @!p0 s3, s7;
	s7 =	simm.s32 @!p0 $0x108  }
0x21: {  	s3 =	sadd.s32 s3, s9;
	s6 =	sadd.s32 @!p0 $0x88, s6;
	s7 =	simm.s32 @p2 $0x1082  }
0x22: {  	[simem:s7], [sflag:s8] =	dma.local @!p0 [hbm:s6], $0xF7A  }
0x23: {  	s9 =	sor.u32 $0xD0000000, s2;
	s6 =	simm.s32 $0x108;
	_ =	swait.ge @!p0 [sflag:s8], $0x0  }
0x24: {  	s3 =	sadd.s32 $0x88, s3;
	s6 =	simm.s32 @!p1 $0x1082;
	[sflag:s4] =	ssyncset.s32 $0xFFFFF086  }
0x25: {  	[simem:s6], [sflag:s4] =	dma.local [hbm:s3], $0xF7A  }
0x26: {  	[smem:$0x3F9E] =	sst s1;
	(tag) =	ssettag s2;
	_ =	strace s9  }
0x27: {  	s1 =	sld [smem:$0x3FAE]  }
0x28: {  	s2 =	sld [smem:$0x3FAF]  }
0x29: {  	s4 =	sld [smem:$0x3FB1]  }
0x2a: {  	p0 =	seq.s32 s5, $0x0;
	s5 =	sld [smem:$0x3FB2]  }
0x2b: {  	s6 =	sld [smem:$0x3FB3]  }
0x2c: {  	s7 =	sld [smem:$0x3FB4]  }
0x2d: {  	s3 =	simm.s32 $0x108;
	s8 =	sld [smem:$0x3FB5]  }
0x2e: {  	s3 =	simm.s32 @!p0 $0x1082;
	s9 =	sld [smem:$0x3FB6]  }
0x2f: {  	lr =	sadd.s32 s0, s3;
	s0 =	sld [smem:$0x3FAD]  }
0x30: {  	s3 =	sld [smem:$0x3FB0]  }
0x31: {  	[smem:$0x3FB9] =	sst s10  }
0x32: {  	s10 =	sld [smem:$0x3FB7];
	_ =	sdelay $0x3  }
0x33: {  	p0 =	seq.s32 s10, $0x1;
	s10 =	sld [smem:$0x3FB9];
	_ =	sdelay $0x3  }
0x34: {  	[smem:$0x3FB9] =	sst s10  }
0x35: {  	s10 =	sld [smem:$0x3FB8];
	_ =	sdelay $0x3  }
0x36: {  	p1 =	seq.s32 s10, $0x1;
	s10 =	sld [smem:$0x3FB9];
	_ =	sdelay $0x3  }
0x37: {  	[smem:$0x3FB9] =	sst s10  }
0x38: {  	s10 =	sld [smem:$0x3FBA]  }
0x39: {  	_ = 	snop;
	(pc) =	sbr.ind lr, $3  }
0x3a: {  	_ = 	snop  }
0x3b: {  	_ = 	snop  }
0x3c: {  	p2 =	seq.s32 s10, $0x1;
	s10 =	sld [smem:$0x3FB9]  }
0x3d: {  	_ =	shalt  }
0x3e: {  	_ =	shalt  }
0x3f: {  	_ =	shalt  }
0x40: {  	_ =	shalt  }
0x41: {  	_ =	shalt  }
0x42: {  	_ =	shalt  }
0x43: {  	_ =	shalt  }
0x44: {  	_ =	shalt  }
0x45: {  	_ =	shalt  }
0x46: {  	_ =	shalt  }
0x47: {  	_ =	shalt  }
0x48: {  	_ =	shalt  }
0x49: {  	_ =	shalt  }
0x4a: {  	_ =	shalt  }
0x4b: {  	_ =	shalt  }
0x4c: {  	_ =	shalt  }
0x4d: {  	_ =	shalt  }
0x4e: {  	_ =	shalt  }
0x4f: {  	_ =	shalt  }
0x50: {  	_ =	shalt  }
0x51: {  	_ =	shalt  }
0x52: {  	_ =	shalt  }
0x53: {  	_ =	shalt  }
0x54: {  	_ =	shalt  }
0x55: {  	_ =	shalt  }
0x56: {  	_ =	shalt  }
0x57: {  	_ =	shalt  }
0x58: {  	_ =	shalt  }
0x59: {  	_ =	shalt  }
0x5a: {  	_ =	shalt  }
0x5b: {  	_ =	shalt  }
0x5c: {  	_ =	shalt  }
0x5d: {  	_ =	shalt  }
0x5e: {  	_ =	shalt  }
0x5f: {  	_ =	shalt  }
0x60: {  	_ =	shalt  }
0x61: {  	_ =	shalt  }
0x62: {  	_ =	shalt  }
0x63: {  	_ =	shalt  }
0x64: {  	_ =	shalt  }
0x65: {  	_ =	shalt  }
0x66: {  	_ =	shalt  }
0x67: {  	_ =	shalt  }
0x68: {  	_ =	shalt  }
0x69: {  	_ =	shalt  }
0x6a: {  	_ =	shalt  }
0x6b: {  	_ =	shalt  }
0x6c: {  	_ =	shalt  }
0x6d: {  	_ =	shalt  }
0x6e: {  	_ =	shalt  }
0x6f: {  	_ =	shalt  }
0x70: {  	_ =	shalt  }
0x71: {  	_ =	shalt  }
0x72: {  	_ =	shalt  }
0x73: {  	_ =	shalt  }
0x74: {  	_ =	shalt  }
0x75: {  	_ =	shalt  }
0x76: {  	_ =	shalt  }
0x77: {  	_ =	shalt  }
0x78: {  	_ =	shalt  }
0x79: {  	_ =	shalt  }
0x7a: {  	_ =	shalt  }
0x7b: {  	_ =	shalt  }
0x7c: {  	_ =	shalt  }
0x7d: {  	_ =	shalt  }
0x7e: {  	_ =	shalt  }
0x7f: {  	_ =	shalt  }
0x80: {  	_ =	shalt  }
0x81: {  	_ =	shalt  }
0x82: {  	_ =	shalt  }
0x83: {  	_ =	shalt  }
0x84: {  	_ =	shalt  }
0x85: {  	_ =	shalt  }
0x86: {  	_ =	shalt  }
0x87: {  	_ =	shalt  }
.Lfunc_end0:
.L_simem_size_0:
called_computation_lowered:
.L_overlay_start_0:
0x88: {  	s2 =	sld [smem:$0x3FD9]  }
0x89: {  	s3 =	sld [smem:$0x3FFE];
	_ =	sdelay $0x1  }
0x8a: {  	s1 =	srdreg.scid  }
0x8b: {  	s0 =	sand.u32 $0x1, s1  }
0x8c: {  	s17 =	sshll.u32 s0, $0xA;
	s2 =	sadd.s32 s3, s2  }
0x8d: {  	s2 =	sadd.s32 s2, s17  }
0x8e: {  	[smem:$0x3FC5] =	sst s2  }
0x8f: {  	_ = 	snop  }
0x90: {  	s2 =	sld [smem:$0x3FD0];
	(tm) =	ssettm $0x1  }
0x91: {  	s18 =	sld [smem:$0x3FFB];
	_ =	sdelay $0x3  }
0x92: {  	_ =	strace s18  }
0x93: {  	s3 =	sld [smem:$0x3FFC];
	_ =	sdelay $0x3  }
0x94: {  	_ =	strace s3  }
0x95: {  	s3 =	sld [smem:$0x3FFD];
	_ =	sdelay $0x3  }
0x96: {  	_ =	strace s3  }
0x97: {  	_ =	strace $0x8FFFFFFF  }
0x98: {  	s19 =	sld [smem:$0x3FDB];
	_ =	sdelay $0x1  }
0x99: {  	s4 =	simm.s32 $_scs_section_size  }
0x9a: {  	s5 =	simm.s32 $_size__tile_overlayer_lowered;
	s6 =	simm.s32 $_tile_overlayer_lowered  }
0x9b: {  	s22 =	simm.s32 $0x1BFF;
	s21 =	sshll.u32 s6, $0x1;
	s3 =	sadd.s32 s4, s19  }
0x9c: {  	s7 =	simm.s32 $0x0;
	s20 =	sshll.u32 s5, $0x1;
	s5 =	sadd.s32 s21, s3  }
0x9d: {  	[timem:s7], [sflag:s22] =	dma.local [hbm:s5], s20  }
0x9e: {  	_ =	swait.ge [sflag:s22], s20  }
0x9f: {  	s4 =	ssub.s32 $0x0, s20;
	[sflag:s22] =	ssyncset.done $0x0  }
0xa0: {  	[sflag:s22] =	ssyncadd.s32 s4;
	_ =	sdelay $0x1  }
0xa1: {  	s23 =	simm.s32 $0x1B8B  }
0xa2: {  	_ =	swait.ge [sflag:s23], $0x1  }
0xa3: {  	[sflag:s23] =	ssyncset.done $0x0  }
0xa4: {  	s25 =	simm.s32 $0x1B8E;
	s24 =	sld [smem:$0x3FFE];
	[sflag:s23] =	ssyncadd.s32 $0xFFFFFFFF  }
0xa5: {  	s26 =	simm.s32 $execute0_lowered;
	[smem:$0x3FD2] =	sst s25  }
0xa6: {  	s5 =	sshll.u32 s26, $0x1;
	_ =	strace $0x80000046;
	[dreg:$0x1] =	wrdreg $0xFFFFFFFF  }
0xa7: {  	s28 =	simm.s32 $_size_execute0_lowered;
	s3 =	sadd.s32 s3, s5;
	[dreg:$0x0] =	wrdreg $0x0  }
0xa8: {  	s5 =	sshll.u32 s28, $0x1;
	[dreg:$0x2] =	wrdreg s3  }
0xa9: {  	[dreg:$0x3] =	wrdreg s5  }
0xaa: {  	[dreg:$0x4] =	wrdreg $0xC0  }
0xab: {  	_ =	task [dreg:s7], $0x5FFFF  }
0xac: {  	[dreg:$0x1] =	wrdreg $0xFFFFFFFF  }
0xad: {  	[dreg:$0x0] =	wrdreg $0x60  }
0xae: {  	[dreg:$0x2] =	wrdreg s2  }
0xaf: {  	[dreg:$0x3] =	wrdreg s24  }
0xb0: {  	[dreg:$0x4] =	wrdreg $0x1B8000  }
0xb1: {  	[dreg:$0x5] =	wrdreg $0x9  }
0xb2: {  	_ =	task.clear_ibuf [dreg:s7], $0x6FFFF;
	_ =	strace $0x90000046  }
0xb3: {  	s29 =	simm.s32 $0x9;
	_ =	strace $0x80000048  }
0xb4: {  	_ =	swait.ge [sflag:s29], $0x1  }
0xb5: {  	[sflag:s29] =	ssyncadd.s32 $0xFFFFFFFF  }
0xb6: {  	_ =	strace $0x90000048  }
0xb7: {  	_ =	sfence  }
0xb8: {  	s30 =	sld [smem:$0x0];
	_ =	sdelay $0x2  }
0xb9: {  	s31 =	sshll.u32 s1, $0xD;
	s1 =	sshrl.u32 s1, $0x2  }
0xba: {  	s3 =	sand.u32 $0x4000, s31;
	s1 =	sadd.s32 s1, s30  }
0xbb: {  	s0 =	sor.u32 s3, s0;
	s1 =	sshll.u32 s1, $0x11  }
0xbc: {  	s0 =	sor.u32 s1, s0  }
0xbd: {  	s0 =	sadd.s32 $0x8F2B, s0  }
0xbe: {  	[sflag:s0] =	ssyncadd.remote.s32 $0x1  }
0xbf: {  	_ =	sfence.sel $0xFFFF  }
0xc0: {  	[dreg:$0x0] =	wrdreg $0xFFFFFFFF;
	(pc) =	sbr.abs _section_cstart, $3  }
0xc1: {  	[dreg:$0x1] =	wrdreg $0xFFFFFFFF  }
0xc2: {  	_ =	task.clear_ibuf [dreg:s7], $0x2FFFF;
	_ =	strace $0x9FFFFFFF  }
0xc3: {  	(tm) =	ssettm $0x7FFFFFFF  }
tec
execute0_lowered:
.L_overlay_start_1:
0x0: {  	(tag) =	ssettag $0x1  }
0x1: {  	s1 =	rddreg [dreg:$0x0]  }
0x2: {  	s2 =	rddreg [dreg:$0x1]  }
0x3: {  	s3 =	rddreg [dreg:$0x2]  }
0x4: {  	s0 =	rddreg [dreg:$0x3]  }
0x5: {  	s4 =	simm.s32 $0x0;
	s9 =	srdreg.scid;
	s13 =	stileid.u32  }
0x6: {  	s16 =	simm.s32 $0x800;
	s17 =	simm.s32 $0x1800;
	s18 =	simm.s32 $0x1000  }
0x7: {  	s19 =	simm.s32 $0x2000;
	s20 =	simm.s32 $0x2800;
	s21 =	simm.s32 $0x0  }
0x8: {  	[smem:$0x7FF] =	sst s4;
	s5 =	sadd.s32 $0x62000, s2;
	s6 =	sadd.s32 $0x32000, s2  }
0x9: {  	s7 =	sadd.s32 $0x42000, s2;
	s8 =	sadd.s32 $0x52000, s2;
	s9 =	sand.u32 $0x1, s9  }
0xa: {  	p0 =	sne.s32 s13, $0x0;
	_ =	strace $0x80000047;
	s11 =	ssub.s32 $0x2, s9  }
0xb: {  	s10 =	sshll.u32 s9, $0x4;
	s9 =	sadd.s32 $0x94000, s2;
	s12 =	sshrl.u32 s11, $0x1  }
0xc: {  	s14 =	sor.u32 s13, s10;
	s15 =	sadd.s32 s10, s2;
	s13 =	sshrl.u32 @!p0 s3, $0x3  }
0xd: {  	s12 =	ssub.s32 s11, s12;
	s10 =	sshll.u32 s14, $0x8;
	s11 =	sadd.s32 $0x97200, s15  }
0xe: {  	s14 =	simm.s32 $0x3000;
	s15 =	simm.s32 $0x1;
	s12 =	smax.u32 s12, $0x1  }
.LBB2_1:
0xf: {  	s22 =	simm.s32 @!p0 $0x1C01  }
0x10: {  	[spmem:s13], [sflag:s22] =	dma.local @!p0 [hbm:s9], $0x3100  }
0x11: {  	s22 =	simm.s32 @!p0 $0x1  }
0x12: {  	_ =	swait.ge @!p0 [sflag:s22], $0x3100  }
0x13: {  	[sflag:s22] =	ssyncset.done @!p0 $0x0  }
0x14: {  	[sflag:s22] =	ssyncadd.s32 @!p0 $0xFFFFCF00  }
0x15: {  	[tilespmem:s14], [sflag:$0x1] =	stream.linear.gather [hbm4b:s1+s4], $0x18800, $0x38;
	[tilespmem:$0x1D080] =	vst v63  }
0x16: {  	_ =	swait.ge [sflag:s15], $0x18800  }
0x17: {  	[sflag:s15] =	ssyncset.done $0x0  }
0x18: {  	[sflag:s15] =	ssyncadd.s32 $0xFFFE7800  }
0x19: {  	s23 =	simm.s32 $0x0;
	[bflag:$0x0] =	sbarrier.arrive $0xFFFF  }
.LBB2_2:
0x1a: {  	s22 =	sshll.u32 s23, $0xD  }
0x1b: {  	s22 =	sor.u32 s10, s22  }
0x1c: {  	s25 =	simm.s32 $0x0;
	s24 =	sadd.s32 s2, s22  }
0x1d: {  	[tilespmem:s25], [sflag:$0x1] =	stream.linear.gather [hbm4b:s24+s25], $0x800, $0x38;
	[tilespmem:$0x1D080] =	vst v63  }
0x1e: {  	_ =	swait.ge [sflag:s15], $0x800  }
0x1f: {  	[sflag:s15] =	ssyncset.done $0x0  }
0x20: {  	s22 =	sadd.s32 s5, s22;
	[sflag:s15] =	ssyncadd.s32 $0xFFFFF800  }
0x21: {  	[tilespmem:s16], [sflag:$0x1] =	stream.linear.gather [hbm4b:s22+s25], $0x800, $0x38;
	[tilespmem:$0x1D080] =	vst v63  }
0x22: {  	_ =	swait.ge [sflag:s15], $0x800  }
0x23: {  	[sflag:s15] =	ssyncset.done $0x0  }
0x24: {  	s22 =	simm.s32 $0x0;
	[sflag:s15] =	ssyncadd.s32 $0xFFFFF800  }
0x25: {  	v0 =	vld [tilespmem:s22+$0x800]  }
0x26: {  	v2 =	vld [tilespmem:s22+$0x0];
	_ =	sdelay $0x6  }
0x27: {  	v1 =	vld.idx.msk [tilespmem:v0+s14+$0x0], $0xffff  }
0x28: {  	v2 =	vld.idx.msk [tilespmem:v2+s14+$0x0], $0xffff  }
0x29: {  	s24 =	simm.s32 $0x10  }
0x2a: {  	s25 =	simm.s32 $0x80;
	v0 =	vld [tilespmem:s24+$0x800]  }
.LBB2_3:
0x2b: {  	p1 =	sne.s32 s25, $0x1FC0;
	v3 =	vld [tilespmem:s24+$0x0];
	_ =	sdelay $0x1  }
0x2c: {  	v1 =	vsub.f32 v1, v2;
	_ =	sdelay $0x1  }
0x2d: {  	v1 =	vmul.f32 $-1.000000010e-01, v1;
	_ =	sdelay $0x1  }
0x2e: {  	[tilespmem:s22+$0x1800] =	vst v1;
	s22 =	smov.u32 s24  }
.Ltmp0:
0x2f: {  	v1 =	vld.idx.msk [tilespmem:v0+s14+$0x0], $0xffff;
	(pc) =	sbr.rel @p1 .LBB2_3-.Ltmp0, $3  }
0x30: {  	v2 =	vld.idx.msk [tilespmem:v3+s14+$0x0], $0xffff;
	_ =	sdelay $0x1  }
0x31: {  	s24 =	sshra.s32 s25, $0x2  }
0x32: {  	s25 =	sadd.s32 $0x40, s25;
	v0 =	vld [tilespmem:s24+$0x800]  }
0x33: {  	_ = 	snop  }
0x34: {  	v3 =	vld [tilespmem:s24+$0x0];
	_ =	sdelay $0x1  }
0x35: {  	v1 =	vsub.f32 v1, v2;
	_ =	sdelay $0x1  }
0x36: {  	v1 =	vmul.f32 $-1.000000010e-01, v1;
	_ =	sdelay $0x1  }
0x37: {  	[tilespmem:s22+$0x1800] =	vst v1  }
0x38: {  	v0 =	vld.idx.msk [tilespmem:v0+s14+$0x0], $0xffff  }
0x39: {  	v1 =	vld.idx.msk [tilespmem:v3+s14+$0x0], $0xffff;
	_ =	sdelay $0x4  }
0x3a: {  	v0 =	vsub.f32 v0, v1;
	_ =	sdelay $0x1  }
0x3b: {  	s23 =	sadd.s32 $0x1, s23;
	v0 =	vmul.f32 $-1.000000010e-01, v0  }
0x3c: {  	p1 =	sne.s32 s23, $0x19  }
.Ltmp1:
0x3d: {  	[tilespmem:s24+$0x1800] =	vst v0;
	(pc) =	sbr.rel @p1 .LBB2_2-.Ltmp1, $4  }
0x3e: {  	[spmem:s3] =	stream.indirect.scatter.add.f32 [tilespmem:s17], [sflag:$0x1], $0x1, s16, s16, $0xb8;
	[tilespmem:$0x1D080] =	vst v63  }
0x3f: {  	_ =	swait.ge [sflag:s15], $0x800  }
0x40: {  	[sflag:s15] =	ssyncset.done $0x0  }
0x41: {  	s22 =	simm.s32 $0x0;
	[sflag:s15] =	ssyncadd.s32 $0xFFFFF800  }
0x42: {  	s23 =	simm.s32 $0x0  }
.LBB2_6:
0x43: {  	s24 =	sshll.u32 s23, $0xD  }
0x44: {  	s24 =	sor.u32 s10, s24  }
0x45: {  	s25 =	sadd.s32 s6, s24  }
0x46: {  	[tilespmem:s22], [sflag:$0x1] =	stream.linear.gather [hbm4b:s25+s22], $0x800, $0x38;
	[tilespmem:$0x1D080] =	vst v63  }
0x47: {  	_ =	swait.ge [sflag:s15], $0x800  }
0x48: {  	[sflag:s15] =	ssyncset.done $0x0  }
0x49: {  	s31 =	sadd.s32 s7, s24;
	[sflag:s15] =	ssyncadd.s32 $0xFFFFF800  }
0x4a: {  	[tilespmem:s16], [sflag:$0x1] =	stream.linear.gather [hbm4b:s31+s22], $0x800, $0x38;
	[tilespmem:$0x1D080] =	vst v63  }
0x4b: {  	_ =	swait.ge [sflag:s15], $0x800  }
0x4c: {  	[sflag:s15] =	ssyncset.done $0x0  }
0x4d: {  	s24 =	sadd.s32 s8, s24;
	[sflag:s15] =	ssyncadd.s32 $0xFFFFF800  }
0x4e: {  	[tilespmem:s18], [sflag:$0x1] =	stream.linear.gather [hbm4b:s24+s22], $0x800, $0x38;
	[tilespmem:$0x1D080] =	vst v63  }
0x4f: {  	_ =	swait.ge [sflag:s15], $0x800  }
0x50: {  	[sflag:s15] =	ssyncset.done $0x0  }
0x51: {  	s26 =	simm.s32 $0x0;
	[sflag:s15] =	ssyncadd.s32 $0xFFFFF800  }
0x52: {  	v0 =	vld [tilespmem:s26+$0x1000]  }
0x53: {  	v1 =	vld [tilespmem:s26+$0x800]  }
0x54: {  	v2 =	vld [tilespmem:s26+$0x0];
	_ =	sdelay $0x5  }
0x55: {  	v3 =	vld.idx.msk [tilespmem:v0+s14+$0x0], $0xffff  }
0x56: {  	v4 =	vld.idx.msk [tilespmem:v1+s14+$0x0], $0xffff  }
0x57: {  	v6 =	vld.idx.msk [tilespmem:v2+s14+$0x0], $0xffff;
	_ =	sdelay $0x1  }
0x58: {  	s25 =	simm.s32 $0x10  }
0x59: {  	s24 =	simm.s32 $0x20;
	v1 =	vld [tilespmem:s25+$0x800]  }
0x5a: {  	v0 =	vld [tilespmem:s24+$0x800];
	v5 =	vmul.f32 v3, v3;
	v3 =	vmul.f32 v3, v4  }
0x5b: {  	s28 =	simm.s32 $0xC0;
	v2 =	vld [tilespmem:s25+$0x1000];
	v4 =	vmul.f32 v4, v4;
	v6 =	vmul.f32 v6, v6  }
.LBB2_7:
0x5c: {  	p1 =	sne.s32 s28, $0x1FC0;
	v5 =	vsub.f32 v3, v5;
	s29 =	smov.u32 s28;
	s28 =	sadd.s32 $0x40, s28  }
0x5d: {  	v7 =	vld [tilespmem:s25+$0x0];
	v6 =	vsub.f32 v3, v6;
	v3 =	vsub.f32 v3, v4  }
0x5e: {  	v4 =	vmul.f32 $8.999999760e-01, v5  }
0x5f: {  	v5 =	vmul.f32 $8.999999760e-01, v6;
	v3 =	vmul.f32 $8.999999760e-01, v3  }
0x60: {  	[tilespmem:s26+$0x2800] =	vst v4  }
0x61: {  	[tilespmem:s26+$0x1800] =	vst v5  }
0x62: {  	[tilespmem:s26+$0x2000] =	vst v3;
	s26 =	smov.u32 s25;
	s25 =	smov.u32 s24  }
0x63: {  	v2 =	vld.idx.msk [tilespmem:v2+s14+$0x0], $0xffff  }
0x64: {  	v4 =	vld.idx.msk [tilespmem:v1+s14+$0x0], $0xffff;
	v1 =	vmov v0  }
0x65: {  	v6 =	vld.idx.msk [tilespmem:v7+s14+$0x0], $0xffff;
	_ =	sdelay $0x1  }
.Ltmp2:
0x66: {  	s24 =	sshra.s32 s29, $0x2;
	(pc) =	sbr.rel @p1 .LBB2_7-.Ltmp2, $4  }
0x67: {  	v0 =	vld [tilespmem:s24+$0x800]  }
0x68: {  	v5 =	vmul.f32 v2, v2  }
0x69: {  	v3 =	vmul.f32 v2, v4;
	v4 =	vmul.f32 v4, v4  }
0x6a: {  	v6 =	vmul.f32 v6, v6;
	v2 =	vld [tilespmem:s25+$0x1000]  }
0x6b: {  	_ = 	snop  }
0x6c: {  	v5 =	vsub.f32 v3, v5  }
0x6d: {  	v56 =	vsub.f32 v3, v4  }
0x6e: {  	v7 =	vld [tilespmem:s25+$0x0];
	v6 =	vsub.f32 v3, v6;
	v57 =	vmul.f32 $8.999999760e-01, v5  }
0x6f: {  	v3 =	vmul.f32 $8.999999760e-01, v56  }
0x70: {  	v58 =	vmul.f32 $8.999999760e-01, v6;
	[tilespmem:s26+$0x2800] =	vst v57  }
0x71: {  	[tilespmem:s26+$0x2000] =	vst v3  }
0x72: {  	[tilespmem:s26+$0x1800] =	vst v58  }
0x73: {  	v2 =	vld.idx.msk [tilespmem:v2+s14+$0x0], $0xffff  }
0x74: {  	v1 =	vld.idx.msk [tilespmem:v1+s14+$0x0], $0xffff;
	_ =	sdelay $0x1  }
0x75: {  	v3 =	vld.idx.msk [tilespmem:v7+s14+$0x0], $0xffff;
	_ =	sdelay $0x2  }
0x76: {  	v59 =	vmul.f32 v2, v2;
	v2 =	vmul.f32 v2, v1  }
0x77: {  	v5 =	vld [tilespmem:s24+$0x1000];
	v1 =	vmul.f32 v1, v1  }
0x78: {  	v3 =	vmul.f32 v3, v3;
	v4 =	vsub.f32 v2, v59  }
0x79: {  	v60 =	vld [tilespmem:s24+$0x0];
	v1 =	vsub.f32 v2, v1  }
0x7a: {  	v3 =	vsub.f32 v2, v3;
	v61 =	vmul.f32 $8.999999760e-01, v4  }
0x7b: {  	v1 =	vmul.f32 $8.999999760e-01, v1  }
0x7c: {  	v3 =	vmul.f32 $8.999999760e-01, v3;
	[tilespmem:s25+$0x2800] =	vst v61  }
0x7d: {  	[tilespmem:s25+$0x2000] =	vst v1  }
0x7e: {  	[tilespmem:s25+$0x1800] =	vst v3  }
0x7f: {  	v1 =	vld.idx.msk [tilespmem:v5+s14+$0x0], $0xffff  }
0x80: {  	v0 =	vld.idx.msk [tilespmem:v0+s14+$0x0], $0xffff  }
0x81: {  	v2 =	vld.idx.msk [tilespmem:v60+s14+$0x0], $0xffff;
	_ =	sdelay $0x3  }
0x82: {  	v62 =	vmul.f32 v1, v1;
	v1 =	vmul.f32 v1, v0  }
0x83: {  	v2 =	vmul.f32 v2, v2  }
0x84: {  	v0 =	vmul.f32 v0, v0;
	v3 =	vsub.f32 v1, v62  }
0x85: {  	v2 =	vsub.f32 v1, v2  }
0x86: {  	v0 =	vsub.f32 v1, v0;
	v63 =	vmul.f32 $8.999999760e-01, v3  }
0x87: {  	v2 =	vmul.f32 $8.999999760e-01, v2  }
0x88: {  	v0 =	vmul.f32 $8.999999760e-01, v0;
	[tilespmem:s24+$0x2800] =	vst v63  }
0x89: {  	[tilespmem:s24+$0x1800] =	vst v2  }
0x8a: {  	[tilespmem:s24+$0x2000] =	vst v0  }
0x8b: {  	[spmem:s3] =	stream.indirect.scatter.add.f32 [tilespmem:s17], [sflag:$0x1], $0x1, s4, s16, $0xb8;
	[tilespmem:$0x1D080] =	vst v63  }
0x8c: {  	_ =	swait.ge [sflag:s15], $0x800  }
0x8d: {  	[sflag:s15] =	ssyncset.done $0x0  }
0x8e: {  	[sflag:s15] =	ssyncadd.s32 $0xFFFFF800  }
0x8f: {  	[spmem:s3] =	stream.indirect.scatter.add.f32 [tilespmem:s19], [sflag:$0x1], $0x1, s16, s16, $0xb8;
	[tilespmem:$0x1D080] =	vst v63  }
0x90: {  	s23 =	sadd.s32 $0x1, s23;
	_ =	swait.ge [sflag:s15], $0x800  }
0x91: {  	p1 =	sne.s32 s23, $0x8;
	[sflag:s15] =	ssyncset.done $0x0  }
.Ltmp3:
0x92: {  	[sflag:s15] =	ssyncadd.s32 $0xFFFFF800;
	(pc) =	sbr.rel @p1 .LBB2_6-.Ltmp3, $4  }
0x93: {  	[spmem:s3] =	stream.indirect.scatter.add.f32 [tilespmem:s20], [sflag:$0x1], $0x1, s18, s16, $0xb8;
	[tilespmem:$0x1D080] =	vst v63  }
0x94: {  	_ =	swait.ge [sflag:s15], $0x800  }
0x95: {  	[sflag:s15] =	ssyncset.done $0x0  }
0x96: {  	[sflag:s15] =	ssyncadd.s32 $0xFFFFF800  }
0x97: {  	[bflag:$0x0] =	sbarrier.arrive $0xFFFF;
	s21 =	sadd.s32 $0x1, s21  }
0x98: {  	s22 =	simm.s32 @!p0 $0x1;
	s23 =	simm.s32 @!p0 $0x20;
	p1 =	sne.s32 s21, s12  }
.Ltmp4:
0x99: {  	s24 =	simm.s32 @!p0 $0x10;
	s25 =	simm.s32 @!p0 $0x1C01;
	(pc) =	sbr.rel @p1 .LBB2_1-.Ltmp4, $4  }
0x9a: {  	[hbm:s11@s23], [sflag:s25] =	dma.strided @!p0 [spmem:s13@s24], $0x3100, s22, $0x10   }
0x9b: {  	_ =	swait.ge @!p0 [sflag:s22], $0x3100  }
0x9c: {  	[sflag:s22] =	ssyncset.done @!p0 $0x0  }
0x9d: {  	[sflag:s22] =	ssyncadd.s32 @!p0 $0xFFFFCF00  }
0x9e: {  	_ =	sfence.sel $0x180000  }
0x9f: {  	[bflag:$0x0] =	sbarrier.arrive $0xFFFF  }
0xa0: {  	_ =	strace $0x90000047  }
0xa1: {  	s0 =	sadd.s32 @!p0 $0x100000, s0;
	[bflag:$0x2] =	sbarrier.arrive $0xFFFF  }
0xa2: {  	[sflag:s0] =	ssyncadd.tile.s32 @!p0 $0x1;
	_ =	shalt  }
.Lfunc_end2:
_tile_overlayer_lowered:
.L_overlay_start_2:
0xa3: {  	(tag) =	ssettag $0x2  }
0xa4: {  	s0 =	rddreg [dreg:$0x0];
	s2 =	stileid.u32  }
0xa5: {  	s1 =	rddreg [dreg:$0x1];
	p0 =	sne.s32 s2, $0x0  }
0xa6: {  	s3 =	rddreg [dreg:$0x2];
	[bflag:$0x3] =	sbarrier.arrive $0xFFFF;
	s2 =	simm.s32 @!p0 $0x1C01  }
0xa7: {  	[timem:s3], [sflag:s2] =	dma.local @!p0 [hbm:s0], s1  }
0xa8: {  	s0 =	simm.s32 @!p0 $0x1  }
0xa9: {  	_ =	swait.ge @!p0 [sflag:s0], s1  }
0xaa: {  	s1 =	ssub.s32 @!p0 $0x0, s1;
	[sflag:s0] =	ssyncset.done @!p0 $0x0  }
0xab: {  	[sflag:s0] =	ssyncadd.s32 @!p0 s1  }
0xac: {  	[bflag:$0x3] =	sbarrier.arrive $0xFFFF  }
0xad: {  	_ =	shalt  }

</sc_bundles>
